<compile_context>
chip_gen: v7x
topology: tpu7x:2x2x1
jax: 0.10.2.dev20260603
libtpu: 0.0.44.dev20260713+nightly
codegen_flags: <defaults>
</compile_context>

<pallas_src>
import functools

import jax
import jax.numpy as jnp
from jax import lax
from jax.experimental import pallas as pl
from jax.experimental.pallas import tpu as pltpu
from jax.experimental.pallas import tpu_sc as plsc

BATCH = 16384
CTX_SIZE = 128

_info = plsc.get_sparse_core_info()
_NC, _NS = _info.num_cores, _info.num_subcores
_NW = _NC * _NS
_ROWS = BATCH // _NW

_mesh = plsc.VectorSubcoreMesh(core_axis_name="c", subcore_axis_name="s")

_NCHUNK = 4
_CROWS = _ROWS // _NCHUNK


@functools.partial(
    pl.kernel,
    mesh=_mesh,
    out_type=[
        jax.ShapeDtypeStruct((BATCH, CTX_SIZE), jnp.float32),
        jax.ShapeDtypeStruct((BATCH,), jnp.float32),
    ],
    scratch_types=[
        pltpu.VMEM((_NCHUNK, _CROWS, CTX_SIZE), jnp.float32),
        pltpu.VMEM((_ROWS,), jnp.float32),
        pltpu.SemaphoreType.DMA((_NCHUNK,)),
        pltpu.SemaphoreType.DMA((_NCHUNK,)),
        pltpu.SemaphoreType.DMA,
    ],
)
def _fifo_write(cxt_hbm, eps_hbm, out_ctx_hbm, out_eps_hbm,
                bufs, ebuf, gsems, ssems, esem):
    wid = lax.axis_index("s") * _NC + lax.axis_index("c")
    base = wid * _ROWS
    gathers = []
    for j in range(_NCHUNK):
        gathers.append(pltpu.async_copy(
            cxt_hbm.at[pl.ds(base + j * _CROWS, _CROWS)],
            bufs.at[j], gsems.at[j]))
    eg = pltpu.async_copy(eps_hbm.at[pl.ds(base, _ROWS)], ebuf, esem)
    scatters = []
    for j in range(_NCHUNK):
        gathers[j].wait()
        scatters.append(pltpu.async_copy(
            bufs.at[j],
            out_ctx_hbm.at[pl.ds(base + j * _CROWS, _CROWS)],
            ssems.at[j]))
    eg.wait()
    es = pltpu.async_copy(ebuf, out_eps_hbm.at[pl.ds(base, _ROWS)], esem)
    for j in range(_NCHUNK):
        scatters[j].wait()
    es.wait()


def kernel(mem_ctx, mem_eps, cxt, eps):
    out_ctx, out_eps = _fifo_write(cxt, eps.reshape(BATCH))
    return out_ctx, out_eps.reshape(BATCH, 1)

# --- scband reference (transcript-rebuilt; emitter-appended) ---
"""Pipeline reference for scband-fi-fo-memory-16501264351713 (READ-ONLY COPY).

The authoritative reference and input builder live on the scoring server;
editing this copy changes nothing except your own understanding.
"""

import jax, jax.numpy as jnp
import numpy as np

MEM_STEPS = 100000
CTX_SIZE = 128
EPS_SIZE = 1
BATCH = 16384
CUR_STEP = 0  # _current_transient_step before this add_transient call


def setup_inputs(seed: int = 0) -> dict:
    key = jax.random.key(seed)
    k1, k2 = jax.random.split(key)
    mem_ctx = jnp.zeros((MEM_STEPS, CTX_SIZE), dtype=jnp.float32)
    mem_eps = jnp.zeros((MEM_STEPS, EPS_SIZE), dtype=jnp.float32)
    cxt = jax.random.normal(k1, (BATCH, CTX_SIZE), dtype=jnp.float32)
    eps = jax.random.normal(k2, (BATCH, EPS_SIZE), dtype=jnp.float32)
    return {"mem_ctx": mem_ctx, "mem_eps": mem_eps, "cxt": cxt, "eps": eps}


def reference(mem_ctx, mem_eps, cxt, eps):
    """Faithful vectorized translation of FiFoMemory.add_transient followed by
    reading the .ctx / .eps properties.

    The torch loop writes cxt[i] into slot ((CUR_STEP + i) mod mem_steps),
    wrapping back to _first_transient_step (0 here, no frozen entries).
    With first_transient_step == 0 this is exactly a modular scatter-overwrite.
    fill_len after the call is min(CUR_STEP + BATCH, MEM_STEPS) when starting
    from an empty memory.
    """
    n = cxt.shape[0]
    idx = (CUR_STEP + jnp.arange(n)) % MEM_STEPS  # write positions (FIFO cursor)
    new_ctx = mem_ctx.at[idx].set(cxt)
    new_eps = mem_eps.at[idx].set(eps)
    fill_len = min(CUR_STEP + n, MEM_STEPS)
    if fill_len < MEM_STEPS:
        # .ctx / .eps properties return only the filled prefix
        return new_ctx[:fill_len], new_eps[:fill_len]
    return new_ctx, new_eps

if __name__ == "__main__":
    import jax
    _d = setup_inputs()
    print(jax.jit(kernel)(*tuple(_d.values())))

</pallas_src>

<mosaic_0001>
#map = affine_map<(d0, d1) -> (0, 0)>
#map1 = affine_map<(d0, d1) -> (0)>
module attributes {stable_mosaic.version = 14 : i64} {
  func.func @_fifo_write(%arg0: i32, %arg1: i32, %arg2: memref<16384x128xf32, #tpu.memory_space<hbm>>, %arg3: memref<16384xf32, #tpu.memory_space<hbm>>, %arg4: memref<16384x128xf32, #tpu.memory_space<hbm>>, %arg5: memref<16384xf32, #tpu.memory_space<hbm>>, %arg6: memref<4x128x128xf32, #tpu.memory_space<vmem>>, %arg7: memref<512xf32, #tpu.memory_space<vmem>>, %arg8: memref<4x!tpu.dma_semaphore, #tpu.memory_space<semaphore_mem>>, %arg9: memref<4x!tpu.dma_semaphore, #tpu.memory_space<semaphore_mem>>, %arg10: memref<!tpu.dma_semaphore, #tpu.memory_space<semaphore_mem>>) attributes {dimension_semantics = [#tpu.dimension_semantics<core_parallel>, #tpu.dimension_semantics<subcore_parallel>], iteration_bounds = array<i64: 2, 16>, scalar_prefetch = 0 : i64, scratch_operands = 5 : i64, tpu.core_type = #tpu.core_type<sc_vector_subcore>, window_params = [{transform_indices = #map}, {transform_indices = #map1}, {transform_indices = #map}, {transform_indices = #map1}]} {
    %mul3A = arith.constant 2 : i32
    %mul3A_0 = arith.muli %arg1, %mul3A : i32
    %add3A = arith.addi %mul3A_0, %arg0 : i32
    %mul3A_1 = arith.constant 512 : i32
    %mul3A_2 = arith.muli %add3A, %mul3A_1 : i32
    %add3A_3 = arith.constant 0 : i32
    %add3A_4 = arith.addi %mul3A_2, %add3A_3 : i32
    %dma_start3A = arith.constant 0 : i32
    %dma_start3A_5 = arith.constant 0 : i32
    %dma_start3A_6 = arith.constant 0 : i32
    %dma_start3A_7 = arith.constant 0 : i32
    %dma_start3A_8 = tpu.memref_slice %arg6[%dma_start3A, %dma_start3A_6, %dma_start3A_7] : memref<4x128x128xf32, #tpu.memory_space<vmem>> -> memref<1x128x128xf32, #tpu.memory_space<vmem>>
    %dma_start3A_9 = tpu.memref_squeeze %dma_start3A_8 : memref<1x128x128xf32, #tpu.memory_space<vmem>> -> memref<128x128xf32, #tpu.memory_space<vmem>>
    %dma_start3A_10 = arith.constant 0 : i32
    %dma_start3A_11 = tpu.memref_slice %arg2[%add3A_4, %dma_start3A_10] : memref<16384x128xf32, #tpu.memory_space<hbm>> -> memref<128x128xf32, #tpu.memory_space<hbm>>
    %dma_start3A_12 = tpu.memref_slice %arg8[%dma_start3A_5] : memref<4x!tpu.dma_semaphore, #tpu.memory_space<semaphore_mem>> -> memref<1x!tpu.dma_semaphore, #tpu.memory_space<semaphore_mem>>
    %dma_start3A_13 = tpu.memref_squeeze %dma_start3A_12 : memref<1x!tpu.dma_semaphore, #tpu.memory_space<semaphore_mem>> -> memref<!tpu.dma_semaphore, #tpu.memory_space<semaphore_mem>>
    %dma_start3A_14 = arith.constant 0 : i32
    %dma_start3A_15 = arith.constant 0 : i32
    %dma_start3A_16 = tpu.memref_slice %arg6[%dma_start3A, %dma_start3A_14, %dma_start3A_15] : memref<4x128x128xf32, #tpu.memory_space<vmem>> -> memref<1x128x128xf32, #tpu.memory_space<vmem>>
    %dma_start3A_17 = tpu.memref_squeeze %dma_start3A_16 : memref<1x128x128xf32, #tpu.memory_space<vmem>> -> memref<128x128xf32, #tpu.memory_space<vmem>>
    %dma_start3A_18 = arith.constant 0 : i32
    %dma_start3A_19 = tpu.memref_slice %arg2[%add3A_4, %dma_start3A_18] : memref<16384x128xf32, #tpu.memory_space<hbm>> -> memref<128x128xf32, #tpu.memory_space<hbm>>
    tpu.enqueue_dma source(%dma_start3A_19 : memref<128x128xf32, #tpu.memory_space<hbm>>) target(%dma_start3A_17 : memref<128x128xf32, #tpu.memory_space<vmem>>) target_semaphore(%dma_start3A_13 : memref<!tpu.dma_semaphore, #tpu.memory_space<semaphore_mem>>)
    %add3A_20 = arith.constant 128 : i32
    %add3A_21 = arith.addi %mul3A_2, %add3A_20 : i32
    %dma_start3A_22 = arith.constant 1 : i32
    %dma_start3A_23 = arith.constant 1 : i32
    %dma_start3A_24 = arith.constant 0 : i32
    %dma_start3A_25 = arith.constant 0 : i32
    %dma_start3A_26 = tpu.memref_slice %arg6[%dma_start3A_22, %dma_start3A_24, %dma_start3A_25] : memref<4x128x128xf32, #tpu.memory_space<vmem>> -> memref<1x128x128xf32, #tpu.memory_space<vmem>>
    %dma_start3A_27 = tpu.memref_squeeze %dma_start3A_26 : memref<1x128x128xf32, #tpu.memory_space<vmem>> -> memref<128x128xf32, #tpu.memory_space<vmem>>
    %dma_start3A_28 = arith.constant 0 : i32
    %dma_start3A_29 = tpu.memref_slice %arg2[%add3A_21, %dma_start3A_28] : memref<16384x128xf32, #tpu.memory_space<hbm>> -> memref<128x128xf32, #tpu.memory_space<hbm>>
    %dma_start3A_30 = tpu.memref_slice %arg8[%dma_start3A_23] : memref<4x!tpu.dma_semaphore, #tpu.memory_space<semaphore_mem>> -> memref<1x!tpu.dma_semaphore, #tpu.memory_space<semaphore_mem>>
    %dma_start3A_31 = tpu.memref_squeeze %dma_start3A_30 : memref<1x!tpu.dma_semaphore, #tpu.memory_space<semaphore_mem>> -> memref<!tpu.dma_semaphore, #tpu.memory_space<semaphore_mem>>
    %dma_start3A_32 = arith.constant 0 : i32
    %dma_start3A_33 = arith.constant 0 : i32
    %dma_start3A_34 = tpu.memref_slice %arg6[%dma_start3A_22, %dma_start3A_32, %dma_start3A_33] : memref<4x128x128xf32, #tpu.memory_space<vmem>> -> memref<1x128x128xf32, #tpu.memory_space<vmem>>
    %dma_start3A_35 = tpu.memref_squeeze %dma_start3A_34 : memref<1x128x128xf32, #tpu.memory_space<vmem>> -> memref<128x128xf32, #tpu.memory_space<vmem>>
    %dma_start3A_36 = arith.constant 0 : i32
    %dma_start3A_37 = tpu.memref_slice %arg2[%add3A_21, %dma_start3A_36] : memref<16384x128xf32, #tpu.memory_space<hbm>> -> memref<128x128xf32, #tpu.memory_space<hbm>>
    tpu.enqueue_dma source(%dma_start3A_37 : memref<128x128xf32, #tpu.memory_space<hbm>>) target(%dma_start3A_35 : memref<128x128xf32, #tpu.memory_space<vmem>>) target_semaphore(%dma_start3A_31 : memref<!tpu.dma_semaphore, #tpu.memory_space<semaphore_mem>>)
    %add3A_38 = arith.constant 256 : i32
    %add3A_39 = arith.addi %mul3A_2, %add3A_38 : i32
    %dma_start3A_40 = arith.constant 2 : i32
    %dma_start3A_41 = arith.constant 2 : i32
    %dma_start3A_42 = arith.constant 0 : i32
    %dma_start3A_43 = arith.constant 0 : i32
    %dma_start3A_44 = tpu.memref_slice %arg6[%dma_start3A_40, %dma_start3A_42, %dma_start3A_43] : memref<4x128x128xf32, #tpu.memory_space<vmem>> -> memref<1x128x128xf32, #tpu.memory_space<vmem>>
    %dma_start3A_45 = tpu.memref_squeeze %dma_start3A_44 : memref<1x128x128xf32, #tpu.memory_space<vmem>> -> memref<128x128xf32, #tpu.memory_space<vmem>>
    %dma_start3A_46 = arith.constant 0 : i32
    %dma_start3A_47 = tpu.memref_slice %arg2[%add3A_39, %dma_start3A_46] : memref<16384x128xf32, #tpu.memory_space<hbm>> -> memref<128x128xf32, #tpu.memory_space<hbm>>
    %dma_start3A_48 = tpu.memref_slice %arg8[%dma_start3A_41] : memref<4x!tpu.dma_semaphore, #tpu.memory_space<semaphore_mem>> -> memref<1x!tpu.dma_semaphore, #tpu.memory_space<semaphore_mem>>
    %dma_start3A_49 = tpu.memref_squeeze %dma_start3A_48 : memref<1x!tpu.dma_semaphore, #tpu.memory_space<semaphore_mem>> -> memref<!tpu.dma_semaphore, #tpu.memory_space<semaphore_mem>>
    %dma_start3A_50 = arith.constant 0 : i32
    %dma_start3A_51 = arith.constant 0 : i32
    %dma_start3A_52 = tpu.memref_slice %arg6[%dma_start3A_40, %dma_start3A_50, %dma_start3A_51] : memref<4x128x128xf32, #tpu.memory_space<vmem>> -> memref<1x128x128xf32, #tpu.memory_space<vmem>>
    %dma_start3A_53 = tpu.memref_squeeze %dma_start3A_52 : memref<1x128x128xf32, #tpu.memory_space<vmem>> -> memref<128x128xf32, #tpu.memory_space<vmem>>
    %dma_start3A_54 = arith.constant 0 : i32
    %dma_start3A_55 = tpu.memref_slice %arg2[%add3A_39, %dma_start3A_54] : memref<16384x128xf32, #tpu.memory_space<hbm>> -> memref<128x128xf32, #tpu.memory_space<hbm>>
    tpu.enqueue_dma source(%dma_start3A_55 : memref<128x128xf32, #tpu.memory_space<hbm>>) target(%dma_start3A_53 : memref<128x128xf32, #tpu.memory_space<vmem>>) target_semaphore(%dma_start3A_49 : memref<!tpu.dma_semaphore, #tpu.memory_space<semaphore_mem>>)
    %add3A_56 = arith.constant 384 : i32
    %add3A_57 = arith.addi %mul3A_2, %add3A_56 : i32
    %dma_start3A_58 = arith.constant 3 : i32
    %dma_start3A_59 = arith.constant 3 : i32
    %dma_start3A_60 = arith.constant 0 : i32
    %dma_start3A_61 = arith.constant 0 : i32
    %dma_start3A_62 = tpu.memref_slice %arg6[%dma_start3A_58, %dma_start3A_60, %dma_start3A_61] : memref<4x128x128xf32, #tpu.memory_space<vmem>> -> memref<1x128x128xf32, #tpu.memory_space<vmem>>
    %dma_start3A_63 = tpu.memref_squeeze %dma_start3A_62 : memref<1x128x128xf32, #tpu.memory_space<vmem>> -> memref<128x128xf32, #tpu.memory_space<vmem>>
    %dma_start3A_64 = arith.constant 0 : i32
    %dma_start3A_65 = tpu.memref_slice %arg2[%add3A_57, %dma_start3A_64] : memref<16384x128xf32, #tpu.memory_space<hbm>> -> memref<128x128xf32, #tpu.memory_space<hbm>>
    %dma_start3A_66 = tpu.memref_slice %arg8[%dma_start3A_59] : memref<4x!tpu.dma_semaphore, #tpu.memory_space<semaphore_mem>> -> memref<1x!tpu.dma_semaphore, #tpu.memory_space<semaphore_mem>>
    %dma_start3A_67 = tpu.memref_squeeze %dma_start3A_66 : memref<1x!tpu.dma_semaphore, #tpu.memory_space<semaphore_mem>> -> memref<!tpu.dma_semaphore, #tpu.memory_space<semaphore_mem>>
    %dma_start3A_68 = arith.constant 0 : i32
    %dma_start3A_69 = arith.constant 0 : i32
    %dma_start3A_70 = tpu.memref_slice %arg6[%dma_start3A_58, %dma_start3A_68, %dma_start3A_69] : memref<4x128x128xf32, #tpu.memory_space<vmem>> -> memref<1x128x128xf32, #tpu.memory_space<vmem>>
    %dma_start3A_71 = tpu.memref_squeeze %dma_start3A_70 : memref<1x128x128xf32, #tpu.memory_space<vmem>> -> memref<128x128xf32, #tpu.memory_space<vmem>>
    %dma_start3A_72 = arith.constant 0 : i32
    %dma_start3A_73 = tpu.memref_slice %arg2[%add3A_57, %dma_start3A_72] : memref<16384x128xf32, #tpu.memory_space<hbm>> -> memref<128x128xf32, #tpu.memory_space<hbm>>
    tpu.enqueue_dma source(%dma_start3A_73 : memref<128x128xf32, #tpu.memory_space<hbm>>) target(%dma_start3A_71 : memref<128x128xf32, #tpu.memory_space<vmem>>) target_semaphore(%dma_start3A_67 : memref<!tpu.dma_semaphore, #tpu.memory_space<semaphore_mem>>)
    %dma_start3A_74 = tpu.memref_slice %arg3[%mul3A_2] : memref<16384xf32, #tpu.memory_space<hbm>> -> memref<512xf32, #tpu.memory_space<hbm>>
    %dma_start3A_75 = tpu.memref_slice %arg3[%mul3A_2] : memref<16384xf32, #tpu.memory_space<hbm>> -> memref<512xf32, #tpu.memory_space<hbm>>
    tpu.enqueue_dma source(%dma_start3A_75 : memref<512xf32, #tpu.memory_space<hbm>>) target(%arg7 : memref<512xf32, #tpu.memory_space<vmem>>) target_semaphore(%arg10 : memref<!tpu.dma_semaphore, #tpu.memory_space<semaphore_mem>>)
    %dma_wait3A = arith.constant 0 : i32
    %dma_wait3A_76 = arith.constant 0 : i32
    %dma_wait3A_77 = arith.constant 0 : i32
    %dma_wait3A_78 = arith.constant 0 : i32
    %dma_wait3A_79 = tpu.memref_slice %arg6[%dma_wait3A, %dma_wait3A_77, %dma_wait3A_78] : memref<4x128x128xf32, #tpu.memory_space<vmem>> -> memref<1x128x128xf32, #tpu.memory_space<vmem>>
    %dma_wait3A_80 = tpu.memref_squeeze %dma_wait3A_79 : memref<1x128x128xf32, #tpu.memory_space<vmem>> -> memref<128x128xf32, #tpu.memory_space<vmem>>
    %dma_wait3A_81 = arith.constant 0 : i32
    %dma_wait3A_82 = tpu.memref_slice %arg2[%add3A_4, %dma_wait3A_81] : memref<16384x128xf32, #tpu.memory_space<hbm>> -> memref<128x128xf32, #tpu.memory_space<hbm>>
    %dma_wait3A_83 = tpu.memref_slice %arg8[%dma_wait3A_76] : memref<4x!tpu.dma_semaphore, #tpu.memory_space<semaphore_mem>> -> memref<1x!tpu.dma_semaphore, #tpu.memory_space<semaphore_mem>>
    %dma_wait3A_84 = tpu.memref_squeeze %dma_wait3A_83 : memref<1x!tpu.dma_semaphore, #tpu.memory_space<semaphore_mem>> -> memref<!tpu.dma_semaphore, #tpu.memory_space<semaphore_mem>>
    %dma_wait3A_85 = arith.constant 0 : i32
    %dma_wait3A_86 = arith.constant 0 : i32
    %dma_wait3A_87 = tpu.memref_slice %arg6[%dma_wait3A, %dma_wait3A_85, %dma_wait3A_86] : memref<4x128x128xf32, #tpu.memory_space<vmem>> -> memref<1x128x128xf32, #tpu.memory_space<vmem>>
    %dma_wait3A_88 = tpu.memref_squeeze %dma_wait3A_87 : memref<1x128x128xf32, #tpu.memory_space<vmem>> -> memref<128x128xf32, #tpu.memory_space<vmem>>
    %dma_wait3A_89 = arith.constant 0 : i32
    %dma_wait3A_90 = tpu.memref_slice %arg2[%add3A_4, %dma_wait3A_89] : memref<16384x128xf32, #tpu.memory_space<hbm>> -> memref<128x128xf32, #tpu.memory_space<hbm>>
    tpu.wait_dma2 semaphore(%dma_wait3A_84 : memref<!tpu.dma_semaphore, #tpu.memory_space<semaphore_mem>>) src(%dma_wait3A_90 : memref<128x128xf32, #tpu.memory_space<hbm>>) dst(%dma_wait3A_88 : memref<128x128xf32, #tpu.memory_space<vmem>>)
    %add3A_91 = arith.constant 0 : i32
    %add3A_92 = arith.addi %mul3A_2, %add3A_91 : i32
    %dma_start3A_93 = arith.constant 0 : i32
    %dma_start3A_94 = arith.constant 0 : i32
    %dma_start3A_95 = arith.constant 0 : i32
    %dma_start3A_96 = arith.constant 0 : i32
    %dma_start3A_97 = tpu.memref_slice %arg6[%dma_start3A_93, %dma_start3A_95, %dma_start3A_96] : memref<4x128x128xf32, #tpu.memory_space<vmem>> -> memref<1x128x128xf32, #tpu.memory_space<vmem>>
    %dma_start3A_98 = tpu.memref_squeeze %dma_start3A_97 : memref<1x128x128xf32, #tpu.memory_space<vmem>> -> memref<128x128xf32, #tpu.memory_space<vmem>>
    %dma_start3A_99 = arith.constant 0 : i32
    %dma_start3A_100 = tpu.memref_slice %arg4[%add3A_92, %dma_start3A_99] : memref<16384x128xf32, #tpu.memory_space<hbm>> -> memref<128x128xf32, #tpu.memory_space<hbm>>
    %dma_start3A_101 = tpu.memref_slice %arg9[%dma_start3A_94] : memref<4x!tpu.dma_semaphore, #tpu.memory_space<semaphore_mem>> -> memref<1x!tpu.dma_semaphore, #tpu.memory_space<semaphore_mem>>
    %dma_start3A_102 = tpu.memref_squeeze %dma_start3A_101 : memref<1x!tpu.dma_semaphore, #tpu.memory_space<semaphore_mem>> -> memref<!tpu.dma_semaphore, #tpu.memory_space<semaphore_mem>>
    %dma_start3A_103 = arith.constant 0 : i32
    %dma_start3A_104 = tpu.memref_slice %arg4[%add3A_92, %dma_start3A_103] : memref<16384x128xf32, #tpu.memory_space<hbm>> -> memref<128x128xf32, #tpu.memory_space<hbm>>
    %dma_start3A_105 = arith.constant 0 : i32
    %dma_start3A_106 = arith.constant 0 : i32
    %dma_start3A_107 = tpu.memref_slice %arg6[%dma_start3A_93, %dma_start3A_105, %dma_start3A_106] : memref<4x128x128xf32, #tpu.memory_space<vmem>> -> memref<1x128x128xf32, #tpu.memory_space<vmem>>
    %dma_start3A_108 = tpu.memref_squeeze %dma_start3A_107 : memref<1x128x128xf32, #tpu.memory_space<vmem>> -> memref<128x128xf32, #tpu.memory_space<vmem>>
    tpu.enqueue_dma source(%dma_start3A_108 : memref<128x128xf32, #tpu.memory_space<vmem>>) target(%dma_start3A_104 : memref<128x128xf32, #tpu.memory_space<hbm>>) target_semaphore(%dma_start3A_102 : memref<!tpu.dma_semaphore, #tpu.memory_space<semaphore_mem>>)
    %dma_wait3A_109 = arith.constant 1 : i32
    %dma_wait3A_110 = arith.constant 1 : i32
    %dma_wait3A_111 = arith.constant 0 : i32
    %dma_wait3A_112 = arith.constant 0 : i32
    %dma_wait3A_113 = tpu.memref_slice %arg6[%dma_wait3A_109, %dma_wait3A_111, %dma_wait3A_112] : memref<4x128x128xf32, #tpu.memory_space<vmem>> -> memref<1x128x128xf32, #tpu.memory_space<vmem>>
    %dma_wait3A_114 = tpu.memref_squeeze %dma_wait3A_113 : memref<1x128x128xf32, #tpu.memory_space<vmem>> -> memref<128x128xf32, #tpu.memory_space<vmem>>
    %dma_wait3A_115 = arith.constant 0 : i32
    %dma_wait3A_116 = tpu.memref_slice %arg2[%add3A_21, %dma_wait3A_115] : memref<16384x128xf32, #tpu.memory_space<hbm>> -> memref<128x128xf32, #tpu.memory_space<hbm>>
    %dma_wait3A_117 = tpu.memref_slice %arg8[%dma_wait3A_110] : memref<4x!tpu.dma_semaphore, #tpu.memory_space<semaphore_mem>> -> memref<1x!tpu.dma_semaphore, #tpu.memory_space<semaphore_mem>>
    %dma_wait3A_118 = tpu.memref_squeeze %dma_wait3A_117 : memref<1x!tpu.dma_semaphore, #tpu.memory_space<semaphore_mem>> -> memref<!tpu.dma_semaphore, #tpu.memory_space<semaphore_mem>>
    %dma_wait3A_119 = arith.constant 0 : i32
    %dma_wait3A_120 = arith.constant 0 : i32
    %dma_wait3A_121 = tpu.memref_slice %arg6[%dma_wait3A_109, %dma_wait3A_119, %dma_wait3A_120] : memref<4x128x128xf32, #tpu.memory_space<vmem>> -> memref<1x128x128xf32, #tpu.memory_space<vmem>>
    %dma_wait3A_122 = tpu.memref_squeeze %dma_wait3A_121 : memref<1x128x128xf32, #tpu.memory_space<vmem>> -> memref<128x128xf32, #tpu.memory_space<vmem>>
    %dma_wait3A_123 = arith.constant 0 : i32
    %dma_wait3A_124 = tpu.memref_slice %arg2[%add3A_21, %dma_wait3A_123] : memref<16384x128xf32, #tpu.memory_space<hbm>> -> memref<128x128xf32, #tpu.memory_space<hbm>>
    tpu.wait_dma2 semaphore(%dma_wait3A_118 : memref<!tpu.dma_semaphore, #tpu.memory_space<semaphore_mem>>) src(%dma_wait3A_124 : memref<128x128xf32, #tpu.memory_space<hbm>>) dst(%dma_wait3A_122 : memref<128x128xf32, #tpu.memory_space<vmem>>)
    %add3A_125 = arith.constant 128 : i32
    %add3A_126 = arith.addi %mul3A_2, %add3A_125 : i32
    %dma_start3A_127 = arith.constant 1 : i32
    %dma_start3A_128 = arith.constant 1 : i32
    %dma_start3A_129 = arith.constant 0 : i32
    %dma_start3A_130 = arith.constant 0 : i32
    %dma_start3A_131 = tpu.memref_slice %arg6[%dma_start3A_127, %dma_start3A_129, %dma_start3A_130] : memref<4x128x128xf32, #tpu.memory_space<vmem>> -> memref<1x128x128xf32, #tpu.memory_space<vmem>>
    %dma_start3A_132 = tpu.memref_squeeze %dma_start3A_131 : memref<1x128x128xf32, #tpu.memory_space<vmem>> -> memref<128x128xf32, #tpu.memory_space<vmem>>
    %dma_start3A_133 = arith.constant 0 : i32
    %dma_start3A_134 = tpu.memref_slice %arg4[%add3A_126, %dma_start3A_133] : memref<16384x128xf32, #tpu.memory_space<hbm>> -> memref<128x128xf32, #tpu.memory_space<hbm>>
    %dma_start3A_135 = tpu.memref_slice %arg9[%dma_start3A_128] : memref<4x!tpu.dma_semaphore, #tpu.memory_space<semaphore_mem>> -> memref<1x!tpu.dma_semaphore, #tpu.memory_space<semaphore_mem>>
    %dma_start3A_136 = tpu.memref_squeeze %dma_start3A_135 : memref<1x!tpu.dma_semaphore, #tpu.memory_space<semaphore_mem>> -> memref<!tpu.dma_semaphore, #tpu.memory_space<semaphore_mem>>
    %dma_start3A_137 = arith.constant 0 : i32
    %dma_start3A_138 = tpu.memref_slice %arg4[%add3A_126, %dma_start3A_137] : memref<16384x128xf32, #tpu.memory_space<hbm>> -> memref<128x128xf32, #tpu.memory_space<hbm>>
    %dma_start3A_139 = arith.constant 0 : i32
    %dma_start3A_140 = arith.constant 0 : i32
    %dma_start3A_141 = tpu.memref_slice %arg6[%dma_start3A_127, %dma_start3A_139, %dma_start3A_140] : memref<4x128x128xf32, #tpu.memory_space<vmem>> -> memref<1x128x128xf32, #tpu.memory_space<vmem>>
    %dma_start3A_142 = tpu.memref_squeeze %dma_start3A_141 : memref<1x128x128xf32, #tpu.memory_space<vmem>> -> memref<128x128xf32, #tpu.memory_space<vmem>>
    tpu.enqueue_dma source(%dma_start3A_142 : memref<128x128xf32, #tpu.memory_space<vmem>>) target(%dma_start3A_138 : memref<128x128xf32, #tpu.memory_space<hbm>>) target_semaphore(%dma_start3A_136 : memref<!tpu.dma_semaphore, #tpu.memory_space<semaphore_mem>>)
    %dma_wait3A_143 = arith.constant 2 : i32
    %dma_wait3A_144 = arith.constant 2 : i32
    %dma_wait3A_145 = arith.constant 0 : i32
    %dma_wait3A_146 = arith.constant 0 : i32
    %dma_wait3A_147 = tpu.memref_slice %arg6[%dma_wait3A_143, %dma_wait3A_145, %dma_wait3A_146] : memref<4x128x128xf32, #tpu.memory_space<vmem>> -> memref<1x128x128xf32, #tpu.memory_space<vmem>>
    %dma_wait3A_148 = tpu.memref_squeeze %dma_wait3A_147 : memref<1x128x128xf32, #tpu.memory_space<vmem>> -> memref<128x128xf32, #tpu.memory_space<vmem>>
    %dma_wait3A_149 = arith.constant 0 : i32
    %dma_wait3A_150 = tpu.memref_slice %arg2[%add3A_39, %dma_wait3A_149] : memref<16384x128xf32, #tpu.memory_space<hbm>> -> memref<128x128xf32, #tpu.memory_space<hbm>>
    %dma_wait3A_151 = tpu.memref_slice %arg8[%dma_wait3A_144] : memref<4x!tpu.dma_semaphore, #tpu.memory_space<semaphore_mem>> -> memref<1x!tpu.dma_semaphore, #tpu.memory_space<semaphore_mem>>
    %dma_wait3A_152 = tpu.memref_squeeze %dma_wait3A_151 : memref<1x!tpu.dma_semaphore, #tpu.memory_space<semaphore_mem>> -> memref<!tpu.dma_semaphore, #tpu.memory_space<semaphore_mem>>
    %dma_wait3A_153 = arith.constant 0 : i32
    %dma_wait3A_154 = arith.constant 0 : i32
    %dma_wait3A_155 = tpu.memref_slice %arg6[%dma_wait3A_143, %dma_wait3A_153, %dma_wait3A_154] : memref<4x128x128xf32, #tpu.memory_space<vmem>> -> memref<1x128x128xf32, #tpu.memory_space<vmem>>
    %dma_wait3A_156 = tpu.memref_squeeze %dma_wait3A_155 : memref<1x128x128xf32, #tpu.memory_space<vmem>> -> memref<128x128xf32, #tpu.memory_space<vmem>>
    %dma_wait3A_157 = arith.constant 0 : i32
    %dma_wait3A_158 = tpu.memref_slice %arg2[%add3A_39, %dma_wait3A_157] : memref<16384x128xf32, #tpu.memory_space<hbm>> -> memref<128x128xf32, #tpu.memory_space<hbm>>
    tpu.wait_dma2 semaphore(%dma_wait3A_152 : memref<!tpu.dma_semaphore, #tpu.memory_space<semaphore_mem>>) src(%dma_wait3A_158 : memref<128x128xf32, #tpu.memory_space<hbm>>) dst(%dma_wait3A_156 : memref<128x128xf32, #tpu.memory_space<vmem>>)
    %add3A_159 = arith.constant 256 : i32
    %add3A_160 = arith.addi %mul3A_2, %add3A_159 : i32
    %dma_start3A_161 = arith.constant 2 : i32
    %dma_start3A_162 = arith.constant 2 : i32
    %dma_start3A_163 = arith.constant 0 : i32
    %dma_start3A_164 = arith.constant 0 : i32
    %dma_start3A_165 = tpu.memref_slice %arg6[%dma_start3A_161, %dma_start3A_163, %dma_start3A_164] : memref<4x128x128xf32, #tpu.memory_space<vmem>> -> memref<1x128x128xf32, #tpu.memory_space<vmem>>
    %dma_start3A_166 = tpu.memref_squeeze %dma_start3A_165 : memref<1x128x128xf32, #tpu.memory_space<vmem>> -> memref<128x128xf32, #tpu.memory_space<vmem>>
    %dma_start3A_167 = arith.constant 0 : i32
    %dma_start3A_168 = tpu.memref_slice %arg4[%add3A_160, %dma_start3A_167] : memref<16384x128xf32, #tpu.memory_space<hbm>> -> memref<128x128xf32, #tpu.memory_space<hbm>>
    %dma_start3A_169 = tpu.memref_slice %arg9[%dma_start3A_162] : memref<4x!tpu.dma_semaphore, #tpu.memory_space<semaphore_mem>> -> memref<1x!tpu.dma_semaphore, #tpu.memory_space<semaphore_mem>>
    %dma_start3A_170 = tpu.memref_squeeze %dma_start3A_169 : memref<1x!tpu.dma_semaphore, #tpu.memory_space<semaphore_mem>> -> memref<!tpu.dma_semaphore, #tpu.memory_space<semaphore_mem>>
    %dma_start3A_171 = arith.constant 0 : i32
    %dma_start3A_172 = tpu.memref_slice %arg4[%add3A_160, %dma_start3A_171] : memref<16384x128xf32, #tpu.memory_space<hbm>> -> memref<128x128xf32, #tpu.memory_space<hbm>>
    %dma_start3A_173 = arith.constant 0 : i32
    %dma_start3A_174 = arith.constant 0 : i32
    %dma_start3A_175 = tpu.memref_slice %arg6[%dma_start3A_161, %dma_start3A_173, %dma_start3A_174] : memref<4x128x128xf32, #tpu.memory_space<vmem>> -> memref<1x128x128xf32, #tpu.memory_space<vmem>>
    %dma_start3A_176 = tpu.memref_squeeze %dma_start3A_175 : memref<1x128x128xf32, #tpu.memory_space<vmem>> -> memref<128x128xf32, #tpu.memory_space<vmem>>
    tpu.enqueue_dma source(%dma_start3A_176 : memref<128x128xf32, #tpu.memory_space<vmem>>) target(%dma_start3A_172 : memref<128x128xf32, #tpu.memory_space<hbm>>) target_semaphore(%dma_start3A_170 : memref<!tpu.dma_semaphore, #tpu.memory_space<semaphore_mem>>)
    %dma_wait3A_177 = arith.constant 3 : i32
    %dma_wait3A_178 = arith.constant 3 : i32
    %dma_wait3A_179 = arith.constant 0 : i32
    %dma_wait3A_180 = arith.constant 0 : i32
    %dma_wait3A_181 = tpu.memref_slice %arg6[%dma_wait3A_177, %dma_wait3A_179, %dma_wait3A_180] : memref<4x128x128xf32, #tpu.memory_space<vmem>> -> memref<1x128x128xf32, #tpu.memory_space<vmem>>
    %dma_wait3A_182 = tpu.memref_squeeze %dma_wait3A_181 : memref<1x128x128xf32, #tpu.memory_space<vmem>> -> memref<128x128xf32, #tpu.memory_space<vmem>>
    %dma_wait3A_183 = arith.constant 0 : i32
    %dma_wait3A_184 = tpu.memref_slice %arg2[%add3A_57, %dma_wait3A_183] : memref<16384x128xf32, #tpu.memory_space<hbm>> -> memref<128x128xf32, #tpu.memory_space<hbm>>
    %dma_wait3A_185 = tpu.memref_slice %arg8[%dma_wait3A_178] : memref<4x!tpu.dma_semaphore, #tpu.memory_space<semaphore_mem>> -> memref<1x!tpu.dma_semaphore, #tpu.memory_space<semaphore_mem>>
    %dma_wait3A_186 = tpu.memref_squeeze %dma_wait3A_185 : memref<1x!tpu.dma_semaphore, #tpu.memory_space<semaphore_mem>> -> memref<!tpu.dma_semaphore, #tpu.memory_space<semaphore_mem>>
    %dma_wait3A_187 = arith.constant 0 : i32
    %dma_wait3A_188 = arith.constant 0 : i32
    %dma_wait3A_189 = tpu.memref_slice %arg6[%dma_wait3A_177, %dma_wait3A_187, %dma_wait3A_188] : memref<4x128x128xf32, #tpu.memory_space<vmem>> -> memref<1x128x128xf32, #tpu.memory_space<vmem>>
    %dma_wait3A_190 = tpu.memref_squeeze %dma_wait3A_189 : memref<1x128x128xf32, #tpu.memory_space<vmem>> -> memref<128x128xf32, #tpu.memory_space<vmem>>
    %dma_wait3A_191 = arith.constant 0 : i32
    %dma_wait3A_192 = tpu.memref_slice %arg2[%add3A_57, %dma_wait3A_191] : memref<16384x128xf32, #tpu.memory_space<hbm>> -> memref<128x128xf32, #tpu.memory_space<hbm>>
    tpu.wait_dma2 semaphore(%dma_wait3A_186 : memref<!tpu.dma_semaphore, #tpu.memory_space<semaphore_mem>>) src(%dma_wait3A_192 : memref<128x128xf32, #tpu.memory_space<hbm>>) dst(%dma_wait3A_190 : memref<128x128xf32, #tpu.memory_space<vmem>>)
    %add3A_193 = arith.constant 384 : i32
    %add3A_194 = arith.addi %mul3A_2, %add3A_193 : i32
    %dma_start3A_195 = arith.constant 3 : i32
    %dma_start3A_196 = arith.constant 3 : i32
    %dma_start3A_197 = arith.constant 0 : i32
    %dma_start3A_198 = arith.constant 0 : i32
    %dma_start3A_199 = tpu.memref_slice %arg6[%dma_start3A_195, %dma_start3A_197, %dma_start3A_198] : memref<4x128x128xf32, #tpu.memory_space<vmem>> -> memref<1x128x128xf32, #tpu.memory_space<vmem>>
    %dma_start3A_200 = tpu.memref_squeeze %dma_start3A_199 : memref<1x128x128xf32, #tpu.memory_space<vmem>> -> memref<128x128xf32, #tpu.memory_space<vmem>>
    %dma_start3A_201 = arith.constant 0 : i32
    %dma_start3A_202 = tpu.memref_slice %arg4[%add3A_194, %dma_start3A_201] : memref<16384x128xf32, #tpu.memory_space<hbm>> -> memref<128x128xf32, #tpu.memory_space<hbm>>
    %dma_start3A_203 = tpu.memref_slice %arg9[%dma_start3A_196] : memref<4x!tpu.dma_semaphore, #tpu.memory_space<semaphore_mem>> -> memref<1x!tpu.dma_semaphore, #tpu.memory_space<semaphore_mem>>
    %dma_start3A_204 = tpu.memref_squeeze %dma_start3A_203 : memref<1x!tpu.dma_semaphore, #tpu.memory_space<semaphore_mem>> -> memref<!tpu.dma_semaphore, #tpu.memory_space<semaphore_mem>>
    %dma_start3A_205 = arith.constant 0 : i32
    %dma_start3A_206 = tpu.memref_slice %arg4[%add3A_194, %dma_start3A_205] : memref<16384x128xf32, #tpu.memory_space<hbm>> -> memref<128x128xf32, #tpu.memory_space<hbm>>
    %dma_start3A_207 = arith.constant 0 : i32
    %dma_start3A_208 = arith.constant 0 : i32
    %dma_start3A_209 = tpu.memref_slice %arg6[%dma_start3A_195, %dma_start3A_207, %dma_start3A_208] : memref<4x128x128xf32, #tpu.memory_space<vmem>> -> memref<1x128x128xf32, #tpu.memory_space<vmem>>
    %dma_start3A_210 = tpu.memref_squeeze %dma_start3A_209 : memref<1x128x128xf32, #tpu.memory_space<vmem>> -> memref<128x128xf32, #tpu.memory_space<vmem>>
    tpu.enqueue_dma source(%dma_start3A_210 : memref<128x128xf32, #tpu.memory_space<vmem>>) target(%dma_start3A_206 : memref<128x128xf32, #tpu.memory_space<hbm>>) target_semaphore(%dma_start3A_204 : memref<!tpu.dma_semaphore, #tpu.memory_space<semaphore_mem>>)
    %dma_wait3A_211 = tpu.memref_slice %arg3[%mul3A_2] : memref<16384xf32, #tpu.memory_space<hbm>> -> memref<512xf32, #tpu.memory_space<hbm>>
    %dma_wait3A_212 = tpu.memref_slice %arg3[%mul3A_2] : memref<16384xf32, #tpu.memory_space<hbm>> -> memref<512xf32, #tpu.memory_space<hbm>>
    tpu.wait_dma2 semaphore(%arg10 : memref<!tpu.dma_semaphore, #tpu.memory_space<semaphore_mem>>) src(%dma_wait3A_212 : memref<512xf32, #tpu.memory_space<hbm>>) dst(%arg7 : memref<512xf32, #tpu.memory_space<vmem>>)
    %dma_start3A_213 = tpu.memref_slice %arg5[%mul3A_2] : memref<16384xf32, #tpu.memory_space<hbm>> -> memref<512xf32, #tpu.memory_space<hbm>>
    %dma_start3A_214 = tpu.memref_slice %arg5[%mul3A_2] : memref<16384xf32, #tpu.memory_space<hbm>> -> memref<512xf32, #tpu.memory_space<hbm>>
    tpu.enqueue_dma source(%arg7 : memref<512xf32, #tpu.memory_space<vmem>>) target(%dma_start3A_214 : memref<512xf32, #tpu.memory_space<hbm>>) target_semaphore(%arg10 : memref<!tpu.dma_semaphore, #tpu.memory_space<semaphore_mem>>)
    %dma_wait3A_215 = arith.constant 0 : i32
    %dma_wait3A_216 = arith.constant 0 : i32
    %dma_wait3A_217 = arith.constant 0 : i32
    %dma_wait3A_218 = arith.constant 0 : i32
    %dma_wait3A_219 = tpu.memref_slice %arg6[%dma_wait3A_215, %dma_wait3A_217, %dma_wait3A_218] : memref<4x128x128xf32, #tpu.memory_space<vmem>> -> memref<1x128x128xf32, #tpu.memory_space<vmem>>
    %dma_wait3A_220 = tpu.memref_squeeze %dma_wait3A_219 : memref<1x128x128xf32, #tpu.memory_space<vmem>> -> memref<128x128xf32, #tpu.memory_space<vmem>>
    %dma_wait3A_221 = arith.constant 0 : i32
    %dma_wait3A_222 = tpu.memref_slice %arg4[%add3A_92, %dma_wait3A_221] : memref<16384x128xf32, #tpu.memory_space<hbm>> -> memref<128x128xf32, #tpu.memory_space<hbm>>
    %dma_wait3A_223 = tpu.memref_slice %arg9[%dma_wait3A_216] : memref<4x!tpu.dma_semaphore, #tpu.memory_space<semaphore_mem>> -> memref<1x!tpu.dma_semaphore, #tpu.memory_space<semaphore_mem>>
    %dma_wait3A_224 = tpu.memref_squeeze %dma_wait3A_223 : memref<1x!tpu.dma_semaphore, #tpu.memory_space<semaphore_mem>> -> memref<!tpu.dma_semaphore, #tpu.memory_space<semaphore_mem>>
    %dma_wait3A_225 = arith.constant 0 : i32
    %dma_wait3A_226 = tpu.memref_slice %arg4[%add3A_92, %dma_wait3A_225] : memref<16384x128xf32, #tpu.memory_space<hbm>> -> memref<128x128xf32, #tpu.memory_space<hbm>>
    %dma_wait3A_227 = arith.constant 0 : i32
    %dma_wait3A_228 = arith.constant 0 : i32
    %dma_wait3A_229 = tpu.memref_slice %arg6[%dma_wait3A_215, %dma_wait3A_227, %dma_wait3A_228] : memref<4x128x128xf32, #tpu.memory_space<vmem>> -> memref<1x128x128xf32, #tpu.memory_space<vmem>>
    %dma_wait3A_230 = tpu.memref_squeeze %dma_wait3A_229 : memref<1x128x128xf32, #tpu.memory_space<vmem>> -> memref<128x128xf32, #tpu.memory_space<vmem>>
    tpu.wait_dma2 semaphore(%dma_wait3A_224 : memref<!tpu.dma_semaphore, #tpu.memory_space<semaphore_mem>>) src(%dma_wait3A_230 : memref<128x128xf32, #tpu.memory_space<vmem>>) dst(%dma_wait3A_226 : memref<128x128xf32, #tpu.memory_space<hbm>>)
    %dma_wait3A_231 = arith.constant 1 : i32
    %dma_wait3A_232 = arith.constant 1 : i32
    %dma_wait3A_233 = arith.constant 0 : i32
    %dma_wait3A_234 = arith.constant 0 : i32
    %dma_wait3A_235 = tpu.memref_slice %arg6[%dma_wait3A_231, %dma_wait3A_233, %dma_wait3A_234] : memref<4x128x128xf32, #tpu.memory_space<vmem>> -> memref<1x128x128xf32, #tpu.memory_space<vmem>>
    %dma_wait3A_236 = tpu.memref_squeeze %dma_wait3A_235 : memref<1x128x128xf32, #tpu.memory_space<vmem>> -> memref<128x128xf32, #tpu.memory_space<vmem>>
    %dma_wait3A_237 = arith.constant 0 : i32
    %dma_wait3A_238 = tpu.memref_slice %arg4[%add3A_126, %dma_wait3A_237] : memref<16384x128xf32, #tpu.memory_space<hbm>> -> memref<128x128xf32, #tpu.memory_space<hbm>>
    %dma_wait3A_239 = tpu.memref_slice %arg9[%dma_wait3A_232] : memref<4x!tpu.dma_semaphore, #tpu.memory_space<semaphore_mem>> -> memref<1x!tpu.dma_semaphore, #tpu.memory_space<semaphore_mem>>
    %dma_wait3A_240 = tpu.memref_squeeze %dma_wait3A_239 : memref<1x!tpu.dma_semaphore, #tpu.memory_space<semaphore_mem>> -> memref<!tpu.dma_semaphore, #tpu.memory_space<semaphore_mem>>
    %dma_wait3A_241 = arith.constant 0 : i32
    %dma_wait3A_242 = tpu.memref_slice %arg4[%add3A_126, %dma_wait3A_241] : memref<16384x128xf32, #tpu.memory_space<hbm>> -> memref<128x128xf32, #tpu.memory_space<hbm>>
    %dma_wait3A_243 = arith.constant 0 : i32
    %dma_wait3A_244 = arith.constant 0 : i32
    %dma_wait3A_245 = tpu.memref_slice %arg6[%dma_wait3A_231, %dma_wait3A_243, %dma_wait3A_244] : memref<4x128x128xf32, #tpu.memory_space<vmem>> -> memref<1x128x128xf32, #tpu.memory_space<vmem>>
    %dma_wait3A_246 = tpu.memref_squeeze %dma_wait3A_245 : memref<1x128x128xf32, #tpu.memory_space<vmem>> -> memref<128x128xf32, #tpu.memory_space<vmem>>
    tpu.wait_dma2 semaphore(%dma_wait3A_240 : memref<!tpu.dma_semaphore, #tpu.memory_space<semaphore_mem>>) src(%dma_wait3A_246 : memref<128x128xf32, #tpu.memory_space<vmem>>) dst(%dma_wait3A_242 : memref<128x128xf32, #tpu.memory_space<hbm>>)
    %dma_wait3A_247 = arith.constant 2 : i32
    %dma_wait3A_248 = arith.constant 2 : i32
    %dma_wait3A_249 = arith.constant 0 : i32
    %dma_wait3A_250 = arith.constant 0 : i32
    %dma_wait3A_251 = tpu.memref_slice %arg6[%dma_wait3A_247, %dma_wait3A_249, %dma_wait3A_250] : memref<4x128x128xf32, #tpu.memory_space<vmem>> -> memref<1x128x128xf32, #tpu.memory_space<vmem>>
    %dma_wait3A_252 = tpu.memref_squeeze %dma_wait3A_251 : memref<1x128x128xf32, #tpu.memory_space<vmem>> -> memref<128x128xf32, #tpu.memory_space<vmem>>
    %dma_wait3A_253 = arith.constant 0 : i32
    %dma_wait3A_254 = tpu.memref_slice %arg4[%add3A_160, %dma_wait3A_253] : memref<16384x128xf32, #tpu.memory_space<hbm>> -> memref<128x128xf32, #tpu.memory_space<hbm>>
    %dma_wait3A_255 = tpu.memref_slice %arg9[%dma_wait3A_248] : memref<4x!tpu.dma_semaphore, #tpu.memory_space<semaphore_mem>> -> memref<1x!tpu.dma_semaphore, #tpu.memory_space<semaphore_mem>>
    %dma_wait3A_256 = tpu.memref_squeeze %dma_wait3A_255 : memref<1x!tpu.dma_semaphore, #tpu.memory_space<semaphore_mem>> -> memref<!tpu.dma_semaphore, #tpu.memory_space<semaphore_mem>>
    %dma_wait3A_257 = arith.constant 0 : i32
    %dma_wait3A_258 = tpu.memref_slice %arg4[%add3A_160, %dma_wait3A_257] : memref<16384x128xf32, #tpu.memory_space<hbm>> -> memref<128x128xf32, #tpu.memory_space<hbm>>
    %dma_wait3A_259 = arith.constant 0 : i32
    %dma_wait3A_260 = arith.constant 0 : i32
    %dma_wait3A_261 = tpu.memref_slice %arg6[%dma_wait3A_247, %dma_wait3A_259, %dma_wait3A_260] : memref<4x128x128xf32, #tpu.memory_space<vmem>> -> memref<1x128x128xf32, #tpu.memory_space<vmem>>
    %dma_wait3A_262 = tpu.memref_squeeze %dma_wait3A_261 : memref<1x128x128xf32, #tpu.memory_space<vmem>> -> memref<128x128xf32, #tpu.memory_space<vmem>>
    tpu.wait_dma2 semaphore(%dma_wait3A_256 : memref<!tpu.dma_semaphore, #tpu.memory_space<semaphore_mem>>) src(%dma_wait3A_262 : memref<128x128xf32, #tpu.memory_space<vmem>>) dst(%dma_wait3A_258 : memref<128x128xf32, #tpu.memory_space<hbm>>)
    %dma_wait3A_263 = arith.constant 3 : i32
    %dma_wait3A_264 = arith.constant 3 : i32
    %dma_wait3A_265 = arith.constant 0 : i32
    %dma_wait3A_266 = arith.constant 0 : i32
    %dma_wait3A_267 = tpu.memref_slice %arg6[%dma_wait3A_263, %dma_wait3A_265, %dma_wait3A_266] : memref<4x128x128xf32, #tpu.memory_space<vmem>> -> memref<1x128x128xf32, #tpu.memory_space<vmem>>
    %dma_wait3A_268 = tpu.memref_squeeze %dma_wait3A_267 : memref<1x128x128xf32, #tpu.memory_space<vmem>> -> memref<128x128xf32, #tpu.memory_space<vmem>>
    %dma_wait3A_269 = arith.constant 0 : i32
    %dma_wait3A_270 = tpu.memref_slice %arg4[%add3A_194, %dma_wait3A_269] : memref<16384x128xf32, #tpu.memory_space<hbm>> -> memref<128x128xf32, #tpu.memory_space<hbm>>
    %dma_wait3A_271 = tpu.memref_slice %arg9[%dma_wait3A_264] : memref<4x!tpu.dma_semaphore, #tpu.memory_space<semaphore_mem>> -> memref<1x!tpu.dma_semaphore, #tpu.memory_space<semaphore_mem>>
    %dma_wait3A_272 = tpu.memref_squeeze %dma_wait3A_271 : memref<1x!tpu.dma_semaphore, #tpu.memory_space<semaphore_mem>> -> memref<!tpu.dma_semaphore, #tpu.memory_space<semaphore_mem>>
    %dma_wait3A_273 = arith.constant 0 : i32
    %dma_wait3A_274 = tpu.memref_slice %arg4[%add3A_194, %dma_wait3A_273] : memref<16384x128xf32, #tpu.memory_space<hbm>> -> memref<128x128xf32, #tpu.memory_space<hbm>>
    %dma_wait3A_275 = arith.constant 0 : i32
    %dma_wait3A_276 = arith.constant 0 : i32
    %dma_wait3A_277 = tpu.memref_slice %arg6[%dma_wait3A_263, %dma_wait3A_275, %dma_wait3A_276] : memref<4x128x128xf32, #tpu.memory_space<vmem>> -> memref<1x128x128xf32, #tpu.memory_space<vmem>>
    %dma_wait3A_278 = tpu.memref_squeeze %dma_wait3A_277 : memref<1x128x128xf32, #tpu.memory_space<vmem>> -> memref<128x128xf32, #tpu.memory_space<vmem>>
    tpu.wait_dma2 semaphore(%dma_wait3A_272 : memref<!tpu.dma_semaphore, #tpu.memory_space<semaphore_mem>>) src(%dma_wait3A_278 : memref<128x128xf32, #tpu.memory_space<vmem>>) dst(%dma_wait3A_274 : memref<128x128xf32, #tpu.memory_space<hbm>>)
    %dma_wait3A_279 = tpu.memref_slice %arg5[%mul3A_2] : memref<16384xf32, #tpu.memory_space<hbm>> -> memref<512xf32, #tpu.memory_space<hbm>>
    %dma_wait3A_280 = tpu.memref_slice %arg5[%mul3A_2] : memref<16384xf32, #tpu.memory_space<hbm>> -> memref<512xf32, #tpu.memory_space<hbm>>
    tpu.wait_dma2 semaphore(%arg10 : memref<!tpu.dma_semaphore, #tpu.memory_space<semaphore_mem>>) src(%arg7 : memref<512xf32, #tpu.memory_space<vmem>>) dst(%dma_wait3A_280 : memref<512xf32, #tpu.memory_space<hbm>>)
    return
  }
}

</mosaic_0001>

<sc_bundles>
// kernel: kernel.3.cloned.1.call-start
scs
__scs_entry_jumppad:
0x0: {  	(pc) =	sbr.rel $0x88, $3  }
0x1: {  	(tag) =	ssettag $0x0;
	lr =	simm.s32 $0x1  }
0x2: {  	[smem:$0x3F9F] =	sst lr;
	_ =	strace $0xD0000000  }
0x3: {  	_ = 	snop  }
0x4: {  	_ = 	snop  }
0x5: {  	_ = 	snop  }
0x6: {  	_ = 	snop  }
0x7: {  	_ = 	snop  }
__scs_overlays_trampoline_lowered:
0x8: {  	[smem:$0x3FAE] =	sst s0  }
0x9: {  	[smem:$0x3FAF] =	sst s1  }
0xa: {  	[smem:$0x3FB0] =	sst s2  }
0xb: {  	[smem:$0x3FB1] =	sst s3  }
0xc: {  	[smem:$0x3FB2] =	sst s4  }
0xd: {  	[smem:$0x3FB3] =	sst s5  }
0xe: {  	[smem:$0x3FB4] =	sst s6  }
0xf: {  	[smem:$0x3FB5] =	sst s7  }
0x10: {  	[smem:$0x3FB6] =	sst s8  }
0x11: {  	[smem:$0x3FB7] =	sst s9;
	s0 =	simm.s32 @!p0 $0x0  }
0x12: {  	s1 =	sld [smem:$0x3F9D];
	s0 =	simm.s32 @p0 $0x1  }
0x13: {  	[smem:$0x3FB8] =	sst s0;
	s0 =	simm.s32 @!p1 $0x0  }
0x14: {  	s2 =	sld [smem:$0x3F9C];
	s0 =	simm.s32 @p1 $0x1  }
0x15: {  	[smem:$0x3FB9] =	sst s0;
	s0 =	simm.s32 @!p2 $0x0  }
0x16: {  	s3 =	sld [smem:$0x3FDB];
	s0 =	simm.s32 @p2 $0x1  }
0x17: {  	s4 =	simm.s32 $0x1BF5;
	[smem:$0x3FBB] =	sst s0  }
0x18: {  	s0 =	sld [smem:$0x3F9E];
	_ =	swait.ge [sflag:s4], $0x0  }
0x19: {  	s7 =	sld [smem:$0x3F9F]  }
0x1a: {  	s8 =	sadd.s32 $0xFFFFE003, lr  }
0x1b: {  	s9 =	sadd.s32 $0xFFFFFEF7, lr;
	s5 =	simm.s32 $0xFFFFFFFF;
	p2 =	slt.u32 s8, $0xFFFFF086  }
0x1c: {  	p1 =	slt.u32 s9, $0xF7A;
	s5 =	simm.s32 @!p2 $0x0  }
0x1d: {  	s5 =	simm.s32 @p1 $0x1;
	p0 =	seq.s32 s7, s2  }
0x1e: {  	s7 =	smul.u32 @!p0 $0xF7A, s2;
	p2 =	seq.s32 @!p0 s5, $0x0  }
0x1f: {  	s9 =	smul.u32 $0xF7A, s1;
	s8 =	simm.s32 @!p0 $0x1BF5;
	p2 =	por !p2, p0  }
0x20: {  	[sflag:s8] =	ssyncset.s32 @!p0 $0xFFFFF086;
	s6 =	sadd.s32 @!p0 s3, s7;
	s7 =	simm.s32 @!p0 $0x108  }
0x21: {  	s3 =	sadd.s32 s3, s9;
	s6 =	sadd.s32 @!p0 $0x88, s6;
	s7 =	simm.s32 @p2 $0x1082  }
0x22: {  	[simem:s7], [sflag:s8] =	dma.local @!p0 [hbm:s6], $0xF7A  }
0x23: {  	s9 =	sor.u32 $0xD0000000, s2;
	s6 =	simm.s32 $0x108;
	_ =	swait.ge @!p0 [sflag:s8], $0x0  }
0x24: {  	s3 =	sadd.s32 $0x88, s3;
	s6 =	simm.s32 @!p1 $0x1082;
	[sflag:s4] =	ssyncset.s32 $0xFFFFF086  }
0x25: {  	[simem:s6], [sflag:s4] =	dma.local [hbm:s3], $0xF7A  }
0x26: {  	[smem:$0x3F9F] =	sst s1;
	(tag) =	ssettag s2;
	_ =	strace s9  }
0x27: {  	s1 =	sld [smem:$0x3FAF]  }
0x28: {  	s2 =	sld [smem:$0x3FB0]  }
0x29: {  	s4 =	sld [smem:$0x3FB2]  }
0x2a: {  	p0 =	seq.s32 s5, $0x0;
	s5 =	sld [smem:$0x3FB3]  }
0x2b: {  	s6 =	sld [smem:$0x3FB4]  }
0x2c: {  	s7 =	sld [smem:$0x3FB5]  }
0x2d: {  	s3 =	simm.s32 $0x108;
	s8 =	sld [smem:$0x3FB6]  }
0x2e: {  	s3 =	simm.s32 @!p0 $0x1082;
	s9 =	sld [smem:$0x3FB7]  }
0x2f: {  	lr =	sadd.s32 s0, s3;
	s0 =	sld [smem:$0x3FAE]  }
0x30: {  	s3 =	sld [smem:$0x3FB1]  }
0x31: {  	[smem:$0x3FBA] =	sst s10  }
0x32: {  	s10 =	sld [smem:$0x3FB8];
	_ =	sdelay $0x3  }
0x33: {  	p0 =	seq.s32 s10, $0x1;
	s10 =	sld [smem:$0x3FBA];
	_ =	sdelay $0x3  }
0x34: {  	[smem:$0x3FBA] =	sst s10  }
0x35: {  	s10 =	sld [smem:$0x3FB9];
	_ =	sdelay $0x3  }
0x36: {  	p1 =	seq.s32 s10, $0x1;
	s10 =	sld [smem:$0x3FBA];
	_ =	sdelay $0x3  }
0x37: {  	[smem:$0x3FBA] =	sst s10  }
0x38: {  	s10 =	sld [smem:$0x3FBB]  }
0x39: {  	_ = 	snop;
	(pc) =	sbr.ind lr, $3  }
0x3a: {  	_ = 	snop  }
0x3b: {  	_ = 	snop  }
0x3c: {  	p2 =	seq.s32 s10, $0x1;
	s10 =	sld [smem:$0x3FBA]  }
0x3d: {  	_ =	shalt  }
0x3e: {  	_ =	shalt  }
0x3f: {  	_ =	shalt  }
0x40: {  	_ =	shalt  }
0x41: {  	_ =	shalt  }
0x42: {  	_ =	shalt  }
0x43: {  	_ =	shalt  }
0x44: {  	_ =	shalt  }
0x45: {  	_ =	shalt  }
0x46: {  	_ =	shalt  }
0x47: {  	_ =	shalt  }
0x48: {  	_ =	shalt  }
0x49: {  	_ =	shalt  }
0x4a: {  	_ =	shalt  }
0x4b: {  	_ =	shalt  }
0x4c: {  	_ =	shalt  }
0x4d: {  	_ =	shalt  }
0x4e: {  	_ =	shalt  }
0x4f: {  	_ =	shalt  }
0x50: {  	_ =	shalt  }
0x51: {  	_ =	shalt  }
0x52: {  	_ =	shalt  }
0x53: {  	_ =	shalt  }
0x54: {  	_ =	shalt  }
0x55: {  	_ =	shalt  }
0x56: {  	_ =	shalt  }
0x57: {  	_ =	shalt  }
0x58: {  	_ =	shalt  }
0x59: {  	_ =	shalt  }
0x5a: {  	_ =	shalt  }
0x5b: {  	_ =	shalt  }
0x5c: {  	_ =	shalt  }
0x5d: {  	_ =	shalt  }
0x5e: {  	_ =	shalt  }
0x5f: {  	_ =	shalt  }
0x60: {  	_ =	shalt  }
0x61: {  	_ =	shalt  }
0x62: {  	_ =	shalt  }
0x63: {  	_ =	shalt  }
0x64: {  	_ =	shalt  }
0x65: {  	_ =	shalt  }
0x66: {  	_ =	shalt  }
0x67: {  	_ =	shalt  }
0x68: {  	_ =	shalt  }
0x69: {  	_ =	shalt  }
0x6a: {  	_ =	shalt  }
0x6b: {  	_ =	shalt  }
0x6c: {  	_ =	shalt  }
0x6d: {  	_ =	shalt  }
0x6e: {  	_ =	shalt  }
0x6f: {  	_ =	shalt  }
0x70: {  	_ =	shalt  }
0x71: {  	_ =	shalt  }
0x72: {  	_ =	shalt  }
0x73: {  	_ =	shalt  }
0x74: {  	_ =	shalt  }
0x75: {  	_ =	shalt  }
0x76: {  	_ =	shalt  }
0x77: {  	_ =	shalt  }
0x78: {  	_ =	shalt  }
0x79: {  	_ =	shalt  }
0x7a: {  	_ =	shalt  }
0x7b: {  	_ =	shalt  }
0x7c: {  	_ =	shalt  }
0x7d: {  	_ =	shalt  }
0x7e: {  	_ =	shalt  }
0x7f: {  	_ =	shalt  }
0x80: {  	_ =	shalt  }
0x81: {  	_ =	shalt  }
0x82: {  	_ =	shalt  }
0x83: {  	_ =	shalt  }
0x84: {  	_ =	shalt  }
0x85: {  	_ =	shalt  }
0x86: {  	_ =	shalt  }
0x87: {  	_ =	shalt  }
.Lfunc_end0:
.L_simem_size_0:
called_computation_lowered:
.L_overlay_start_0:
0x88: {  	s2 =	sld [smem:$0x3FD9]  }
0x89: {  	s3 =	sld [smem:$0x3FFE];
	_ =	sdelay $0x1  }
0x8a: {  	s1 =	srdreg.scid  }
0x8b: {  	s0 =	sand.u32 $0x1, s1  }
0x8c: {  	s15 =	sshll.u32 s0, $0xA;
	s2 =	sadd.s32 s3, s2  }
0x8d: {  	s2 =	sadd.s32 s2, s15  }
0x8e: {  	[smem:$0x3FC6] =	sst s2  }
0x8f: {  	_ = 	snop  }
0x90: {  	s2 =	sld [smem:$0x3FD0];
	_ =	sdelay $0x1  }
0x91: {  	s16 =	sld [smem:$0x3FC9]  }
0x92: {  	s5 =	simm.s32 $0xA;
	s6 =	simm.s32 $0x10;
	s4 =	sld [smem:$0x3FC8]  }
0x93: {  	[smem:s6], [sflag:s5] =	dma.local [hbm:s2], $0x1  }
0x94: {  	_ =	swait.eq [sflag:s5], $0x1  }
0x95: {  	[sflag:s5] =	ssyncset.done $0x0  }
0x96: {  	s17 =	sld [smem:$0x10];
	[sflag:s5] =	ssyncadd.s32 $0xFFFFFFFF  }
0x97: {  	s18 =	sld [smem:$0x11];
	(tm) =	ssettm $0x1  }
0x98: {  	s19 =	sld [smem:$0x3FFB];
	_ =	sdelay $0x3  }
0x99: {  	_ =	strace s19  }
0x9a: {  	s6 =	sld [smem:$0x3FFC];
	_ =	sdelay $0x3  }
0x9b: {  	_ =	strace s6  }
0x9c: {  	s6 =	sld [smem:$0x3FFD];
	_ =	sdelay $0x3  }
0x9d: {  	_ =	strace s6  }
0x9e: {  	_ =	strace $0x8FFFFFFF  }
0x9f: {  	s20 =	sld [smem:$0x3FDB];
	_ =	sdelay $0x1  }
0xa0: {  	s7 =	simm.s32 $_scs_section_size  }
0xa1: {  	s8 =	simm.s32 $_size__tile_overlayer_lowered;
	s9 =	simm.s32 $_tile_overlayer_lowered  }
0xa2: {  	s23 =	simm.s32 $0x1BFF;
	s22 =	sshll.u32 s9, $0x1;
	s6 =	sadd.s32 s7, s20  }
0xa3: {  	s10 =	simm.s32 $0x0;
	s21 =	sshll.u32 s8, $0x1;
	s8 =	sadd.s32 s22, s6  }
0xa4: {  	[timem:s10], [sflag:s23] =	dma.local [hbm:s8], s21  }
0xa5: {  	_ =	swait.ge [sflag:s23], s21  }
0xa6: {  	s7 =	ssub.s32 $0x0, s21;
	[sflag:s23] =	ssyncset.done $0x0  }
0xa7: {  	[sflag:s23] =	ssyncadd.s32 s7;
	_ =	sdelay $0x1  }
0xa8: {  	s24 =	simm.s32 $0x1B8B  }
0xa9: {  	_ =	swait.ge [sflag:s24], $0x1  }
0xaa: {  	[sflag:s24] =	ssyncset.done $0x0  }
0xab: {  	s25 =	simm.s32 $0x1B8E;
	[sflag:s24] =	ssyncadd.s32 $0xFFFFFFFF  }
0xac: {  	s26 =	simm.s32 $execute0_lowered;
	[smem:$0x3FD2] =	sst s25  }
0xad: {  	s7 =	sshll.u32 s26, $0x1;
	_ =	strace $0x80000046;
	[dreg:$0x1] =	wrdreg $0xFFFFFFFF  }
0xae: {  	s28 =	simm.s32 $_size_execute0_lowered;
	s6 =	sadd.s32 s6, s7;
	[dreg:$0x0] =	wrdreg $0x0  }
0xaf: {  	s7 =	sshll.u32 s28, $0x1;
	[dreg:$0x2] =	wrdreg s6  }
0xb0: {  	[dreg:$0x3] =	wrdreg s7  }
0xb1: {  	[dreg:$0x4] =	wrdreg $0xC0  }
0xb2: {  	_ =	task [dreg:s10], $0x5FFFF  }
0xb3: {  	[dreg:$0x1] =	wrdreg $0xFFFFFFFF  }
0xb4: {  	[dreg:$0x0] =	wrdreg $0x60  }
0xb5: {  	[dreg:$0x2] =	wrdreg s16  }
0xb6: {  	[dreg:$0x3] =	wrdreg s4  }
0xb7: {  	[dreg:$0x4] =	wrdreg s17  }
0xb8: {  	[dreg:$0x5] =	wrdreg s18  }
0xb9: {  	[dreg:$0x6] =	wrdreg $0x9  }
0xba: {  	_ =	task.clear_ibuf [dreg:s10], $0x7FFFF;
	_ =	strace $0x90000046  }
0xbb: {  	s29 =	simm.s32 $0x9;
	_ =	strace $0x80000048  }
0xbc: {  	_ =	swait.ge [sflag:s29], $0x1  }
0xbd: {  	[sflag:s29] =	ssyncadd.s32 $0xFFFFFFFF  }
0xbe: {  	_ =	strace $0x90000048  }
0xbf: {  	_ =	sfence  }
0xc0: {  	s30 =	sld [smem:$0x0];
	_ =	sdelay $0x2  }
0xc1: {  	s31 =	sshll.u32 s1, $0xD;
	s1 =	sshrl.u32 s1, $0x2  }
0xc2: {  	s3 =	sand.u32 $0x4000, s31;
	s1 =	sadd.s32 s1, s30  }
0xc3: {  	s0 =	sor.u32 s3, s0;
	s1 =	sshll.u32 s1, $0x11  }
0xc4: {  	s0 =	sor.u32 s1, s0  }
0xc5: {  	s0 =	sadd.s32 $0x8F2B, s0  }
0xc6: {  	[sflag:s0] =	ssyncadd.remote.s32 $0x1  }
0xc7: {  	_ =	sfence.sel $0xFFFF  }
0xc8: {  	[dreg:$0x0] =	wrdreg $0xFFFFFFFF;
	(pc) =	sbr.abs _section_cstart, $3  }
0xc9: {  	[dreg:$0x1] =	wrdreg $0xFFFFFFFF  }
0xca: {  	_ =	task.clear_ibuf [dreg:s10], $0x2FFFF;
	_ =	strace $0x9FFFFFFF  }
0xcb: {  	(tm) =	ssettm $0x7FFFFFFF  }
tec
execute0_lowered:
.L_overlay_start_1:
0x0: {  	(tag) =	ssettag $0x1  }
0x1: {  	s8 =	rddreg [dreg:$0x0]  }
0x2: {  	s10 =	rddreg [dreg:$0x1];
	s1 =	srdreg.scid  }
0x3: {  	s19 =	rddreg [dreg:$0x2];
	s0 =	stileid.u32;
	s25 =	sand.u32 $0x1, s1  }
0x4: {  	s21 =	rddreg [dreg:$0x3];
	s3 =	sshll.u32 s0, $0xA;
	s4 =	sshll.u32 s25, $0x9  }
0x5: {  	s2 =	simm.s32 $0x0;
	s1 =	rddreg [dreg:$0x4];
	s9 =	sor.u32 s4, s3  }
0x6: {  	[smem:$0x7FF] =	sst s2;
	s13 =	sshll.u32 s9, $0x4  }
0x7: {  	_ =	strace $0x80000047;
	s3 =	sadd.s32 s8, s13;
	s15 =	sor.u32 $0x800, s13  }
0x8: {  	[tilespmem:s2], [sflag:$0x1] =	stream.linear.gather [hbm4b:s3+s2], $0x4000, $0x38;
	[tilespmem:$0x10200] =	vst v63  }
0x9: {  	s5 =	simm.s32 $0x4000;
	s17 =	sor.u32 $0x1000, s13;
	s4 =	sadd.s32 s8, s15  }
0xa: {  	[tilespmem:s5], [sflag:$0x2] =	stream.linear.gather [hbm4b:s4+s2], $0x4000, $0x38;
	[tilespmem:$0x10200] =	vst v63  }
0xb: {  	s7 =	simm.s32 $0x8000;
	s20 =	sor.u32 $0x1800, s13;
	s6 =	sadd.s32 s8, s17  }
0xc: {  	[tilespmem:s7], [sflag:$0x3] =	stream.linear.gather [hbm4b:s6+s2], $0x4000, $0x38;
	[tilespmem:$0x10200] =	vst v63  }
0xd: {  	s22 =	sshrl.u32 s9, $0x3;
	s9 =	simm.s32 $0xC000;
	s8 =	sadd.s32 s8, s20  }
0xe: {  	[tilespmem:s9], [sflag:$0x4] =	stream.linear.gather [hbm4b:s8+s2], $0x4000, $0x38;
	[tilespmem:$0x10200] =	vst v63  }
0xf: {  	s11 =	simm.s32 $0x10000;
	s12 =	simm.s32 $0x1;
	s10 =	sadd.s32 s10, s22  }
0x10: {  	[tilespmem:s11], [sflag:$0x9] =	stream.linear.gather [hbm4b:s10+s2], $0x200, $0x38;
	[tilespmem:$0x10200] =	vst v63  }
0x11: {  	_ =	swait.ge [sflag:s12], $0x4000  }
0x12: {  	[sflag:s12] =	ssyncset.done $0x0  }
0x13: {  	s14 =	simm.s32 $0x2;
	s13 =	sadd.s32 s19, s13;
	[sflag:s12] =	ssyncadd.s32 $0xFFFFC000  }
0x14: {  	[hbm4b:s13+s2] =	stream.linear.scatter [tilespmem:s2], [sflag:$0x5], $0x4000, $0x38;
	[tilespmem:$0x10200] =	vst v63  }
0x15: {  	_ =	swait.ge [sflag:s14], $0x4000  }
0x16: {  	[sflag:s14] =	ssyncset.done $0x0  }
0x17: {  	s16 =	simm.s32 $0x3;
	s15 =	sadd.s32 s19, s15;
	[sflag:s14] =	ssyncadd.s32 $0xFFFFC000  }
0x18: {  	[hbm4b:s15+s2] =	stream.linear.scatter [tilespmem:s5], [sflag:$0x6], $0x4000, $0x38;
	[tilespmem:$0x10200] =	vst v63  }
0x19: {  	_ =	swait.ge [sflag:s16], $0x4000  }
0x1a: {  	[sflag:s16] =	ssyncset.done $0x0  }
0x1b: {  	s18 =	simm.s32 $0x4;
	s17 =	sadd.s32 s19, s17;
	[sflag:s16] =	ssyncadd.s32 $0xFFFFC000  }
0x1c: {  	[hbm4b:s17+s2] =	stream.linear.scatter [tilespmem:s7], [sflag:$0x7], $0x4000, $0x38;
	[tilespmem:$0x10200] =	vst v63  }
0x1d: {  	_ =	swait.ge [sflag:s18], $0x4000  }
0x1e: {  	[sflag:s18] =	ssyncset.done $0x0  }
0x1f: {  	s20 =	sadd.s32 s19, s20;
	s19 =	simm.s32 $0x9;
	[sflag:s18] =	ssyncadd.s32 $0xFFFFC000  }
0x20: {  	[hbm4b:s20+s2] =	stream.linear.scatter [tilespmem:s9], [sflag:$0x8], $0x4000, $0x38;
	[tilespmem:$0x10200] =	vst v63  }
0x21: {  	_ =	swait.ge [sflag:s19], $0x200  }
0x22: {  	[sflag:s19] =	ssyncset.done $0x0  }
0x23: {  	s21 =	sadd.s32 s21, s22;
	s22 =	simm.s32 $0x5;
	[sflag:s19] =	ssyncadd.s32 $0xFFFFFE00  }
0x24: {  	[hbm4b:s21+s2] =	stream.linear.scatter [tilespmem:s11], [sflag:$0x9], $0x200, $0x38;
	[tilespmem:$0x10200] =	vst v63  }
0x25: {  	_ =	swait.ge [sflag:s22], $0x4000  }
0x26: {  	[sflag:s22] =	ssyncset.done $0x0  }
0x27: {  	s23 =	simm.s32 $0x6;
	[sflag:s22] =	ssyncadd.s32 $0xFFFFC000  }
0x28: {  	_ =	swait.ge [sflag:s23], $0x4000  }
0x29: {  	s26 =	ssub.s32 $0x2, s25;
	[sflag:s23] =	ssyncset.done $0x0  }
0x2a: {  	s24 =	simm.s32 $0x7;
	s28 =	sshrl.u32 s26, $0x1;
	[sflag:s23] =	ssyncadd.s32 $0xFFFFC000  }
0x2b: {  	s26 =	ssub.s32 s26, s28;
	_ =	swait.ge [sflag:s24], $0x4000  }
0x2c: {  	s26 =	smax.u32 s26, $0x1;
	[sflag:s24] =	ssyncset.done $0x0  }
0x2d: {  	s25 =	simm.s32 $0x8;
	p0 =	sne.s32 s26, $0x1;
	[sflag:s24] =	ssyncadd.s32 $0xFFFFC000  }
.Ltmp0:
0x2e: {  	_ =	swait.ge [sflag:s25], $0x4000;
	(pc) =	sbr.rel @!p0 .LBB2_2-.Ltmp0, $4  }
0x2f: {  	[sflag:s25] =	ssyncset.done $0x0  }
0x30: {  	[sflag:s25] =	ssyncadd.s32 $0xFFFFC000  }
0x31: {  	_ =	swait.ge [sflag:s19], $0x200  }
0x32: {  	s26 =	sadd.s32 $0xFFFFFFFF, s26;
	[sflag:s19] =	ssyncset.done $0x0  }
.LBB2_1:
0x33: {  	p0 =	sne.s32 s26, $0x1;
	s26 =	sadd.s32 $0xFFFFFFFF, s26;
	[sflag:s19] =	ssyncadd.s32 $0xFFFFFE00  }
0x34: {  	[tilespmem:s2], [sflag:$0x1] =	stream.linear.gather [hbm4b:s3+s2], $0x4000, $0x38;
	[tilespmem:$0x10200] =	vst v63  }
0x35: {  	_ = 	snop  }
0x36: {  	[tilespmem:s5], [sflag:$0x2] =	stream.linear.gather [hbm4b:s4+s2], $0x4000, $0x38;
	[tilespmem:$0x10200] =	vst v63  }
0x37: {  	_ = 	snop  }
0x38: {  	[tilespmem:s7], [sflag:$0x3] =	stream.linear.gather [hbm4b:s6+s2], $0x4000, $0x38;
	[tilespmem:$0x10200] =	vst v63  }
0x39: {  	_ = 	snop  }
0x3a: {  	[tilespmem:s9], [sflag:$0x4] =	stream.linear.gather [hbm4b:s8+s2], $0x4000, $0x38;
	[tilespmem:$0x10200] =	vst v63  }
0x3b: {  	_ = 	snop  }
0x3c: {  	[tilespmem:s11], [sflag:$0x9] =	stream.linear.gather [hbm4b:s10+s2], $0x200, $0x38;
	[tilespmem:$0x10200] =	vst v63  }
0x3d: {  	_ =	swait.ge [sflag:s12], $0x4000  }
0x3e: {  	[sflag:s12] =	ssyncset.done $0x0  }
0x3f: {  	[sflag:s12] =	ssyncadd.s32 $0xFFFFC000  }
0x40: {  	[hbm4b:s13+s2] =	stream.linear.scatter [tilespmem:s2], [sflag:$0x5], $0x4000, $0x38;
	[tilespmem:$0x10200] =	vst v63  }
0x41: {  	_ =	swait.ge [sflag:s14], $0x4000  }
0x42: {  	[sflag:s14] =	ssyncset.done $0x0  }
0x43: {  	[sflag:s14] =	ssyncadd.s32 $0xFFFFC000  }
0x44: {  	[hbm4b:s15+s2] =	stream.linear.scatter [tilespmem:s5], [sflag:$0x6], $0x4000, $0x38;
	[tilespmem:$0x10200] =	vst v63  }
0x45: {  	_ =	swait.ge [sflag:s16], $0x4000  }
0x46: {  	[sflag:s16] =	ssyncset.done $0x0  }
0x47: {  	[sflag:s16] =	ssyncadd.s32 $0xFFFFC000  }
0x48: {  	[hbm4b:s17+s2] =	stream.linear.scatter [tilespmem:s7], [sflag:$0x7], $0x4000, $0x38;
	[tilespmem:$0x10200] =	vst v63  }
0x49: {  	_ =	swait.ge [sflag:s18], $0x4000  }
0x4a: {  	[sflag:s18] =	ssyncset.done $0x0  }
0x4b: {  	[sflag:s18] =	ssyncadd.s32 $0xFFFFC000  }
0x4c: {  	[hbm4b:s20+s2] =	stream.linear.scatter [tilespmem:s9], [sflag:$0x8], $0x4000, $0x38;
	[tilespmem:$0x10200] =	vst v63  }
0x4d: {  	_ =	swait.ge [sflag:s19], $0x200  }
0x4e: {  	[sflag:s19] =	ssyncset.done $0x0  }
0x4f: {  	[sflag:s19] =	ssyncadd.s32 $0xFFFFFE00  }
0x50: {  	[hbm4b:s21+s2] =	stream.linear.scatter [tilespmem:s11], [sflag:$0x9], $0x200, $0x38;
	[tilespmem:$0x10200] =	vst v63  }
0x51: {  	_ =	swait.ge [sflag:s22], $0x4000  }
0x52: {  	[sflag:s22] =	ssyncset.done $0x0  }
0x53: {  	[sflag:s22] =	ssyncadd.s32 $0xFFFFC000  }
0x54: {  	_ =	swait.ge [sflag:s23], $0x4000  }
0x55: {  	[sflag:s23] =	ssyncset.done $0x0  }
0x56: {  	[sflag:s23] =	ssyncadd.s32 $0xFFFFC000  }
0x57: {  	_ =	swait.ge [sflag:s24], $0x4000  }
0x58: {  	[sflag:s24] =	ssyncset.done $0x0  }
0x59: {  	[sflag:s24] =	ssyncadd.s32 $0xFFFFC000  }
.Ltmp1:
0x5a: {  	_ =	swait.ge [sflag:s25], $0x4000;
	(pc) =	sbr.rel @p0 .LBB2_1-.Ltmp1, $4  }
0x5b: {  	[sflag:s25] =	ssyncset.done $0x0  }
0x5c: {  	[sflag:s25] =	ssyncadd.s32 $0xFFFFC000  }
0x5d: {  	_ =	swait.ge [sflag:s19], $0x200  }
0x5e: {  	[sflag:s19] =	ssyncset.done $0x0  }
.LBB2_2:
0x5f: {  	[sflag:s19] =	ssyncadd.s32 $0xFFFFFE00  }
0x60: {  	_ =	sfence.sel $0x180000  }
0x61: {  	[bflag:$0x0] =	sbarrier.arrive $0xFFFF  }
0x62: {  	p0 =	sne.s32 s0, $0x0;
	_ =	strace $0x90000047  }
0x63: {  	s0 =	sadd.s32 @!p0 $0x100000, s1;
	[bflag:$0x2] =	sbarrier.arrive $0xFFFF  }
0x64: {  	[sflag:s0] =	ssyncadd.tile.s32 @!p0 $0x1;
	_ =	shalt  }
.Lfunc_end2:
_tile_overlayer_lowered:
.L_overlay_start_2:
0x65: {  	(tag) =	ssettag $0x2  }
0x66: {  	s0 =	rddreg [dreg:$0x0];
	s2 =	stileid.u32  }
0x67: {  	s1 =	rddreg [dreg:$0x1];
	p0 =	sne.s32 s2, $0x0  }
0x68: {  	s3 =	rddreg [dreg:$0x2];
	[bflag:$0x3] =	sbarrier.arrive $0xFFFF;
	s2 =	simm.s32 @!p0 $0x1C0A  }
0x69: {  	[timem:s3], [sflag:s2] =	dma.local @!p0 [hbm:s0], s1  }
0x6a: {  	s0 =	simm.s32 @!p0 $0xA  }
0x6b: {  	_ =	swait.ge @!p0 [sflag:s0], s1  }
0x6c: {  	s1 =	ssub.s32 @!p0 $0x0, s1;
	[sflag:s0] =	ssyncset.done @!p0 $0x0  }
0x6d: {  	[sflag:s0] =	ssyncadd.s32 @!p0 s1  }
0x6e: {  	[bflag:$0x3] =	sbarrier.arrive $0xFFFF  }
0x6f: {  	_ =	shalt  }

</sc_bundles>
